<compile_context>
chip_gen: v7x
topology: tpu7x:2x2x1
jax: 0.10.2.dev20260603
libtpu: 0.0.44.dev20260713+nightly
codegen_flags: <defaults>
</compile_context>

<pallas_src>
import jax
import jax.numpy as jnp
from jax.experimental import pallas as pl
from jax.experimental.pallas import tpu as pltpu
from jax.experimental.pallas import tpu_sc as plsc

_M_TILE = 1024
_GATHER_WINDOW = 128


def _first_argmin(d, base):
    m = jnp.min(d, axis=1, keepdims=True)
    iota = jax.lax.broadcasted_iota(jnp.int32, d.shape, 1)
    i = jnp.min(jnp.where(d == m, iota, d.shape[1]), axis=1, keepdims=True)
    return m, i + base


def _argmin_body(xf_ref, xsq_ref, cbt_ref, csq_ref, idx_ref):
    xf = xf_ref[...]
    k = cbt_ref.shape[1]
    h = k // 2
    s = jax.lax.dot_general(xf, cbt_ref[...], (((1,), (0,)), ((), ())),
                            preferred_element_type=jnp.float32)
    d = xsq_ref[...] - 2.0 * s + csq_ref[...]
    m_a, i_a = _first_argmin(d[:, :h], 0)
    m_b, i_b = _first_argmin(d[:, h:], h)
    carry = m_a.astype(jnp.bfloat16).astype(jnp.float32)
    idx_ref[...] = jnp.where(m_b < carry, i_b, i_a)


def _sc_gather(codebook, indices, nt, c):
    vector_mesh = plsc.VectorSubcoreMesh(core_axis_name="core",
                                         subcore_axis_name="subcore")

    @pl.kernel(out_type=jax.ShapeDtypeStruct((nt, c), codebook.dtype),
               mesh=vector_mesh)
    def kern(cb_hbm, i_hbm, o_hbm):
        def body(i_vmem, o_vmem):
            pltpu.sync_copy(cb_hbm.at[i_vmem.at[0]], o_vmem)

        pltpu.emit_pipeline(
            body,
            grid=(nt // _GATHER_WINDOW,),
            in_specs=[pl.BlockSpec((1, _GATHER_WINDOW),
                                   index_map=lambda i: (0, i))],
            out_specs=[pl.BlockSpec((_GATHER_WINDOW, c),
                                    index_map=lambda i: (i, 0))],
            core_axis_name="subcore",
            dimension_semantics=(pltpu.PARALLEL,),
        )(i_hbm, o_hbm)

    return kern(codebook, indices)


def kernel(x, codebook):
    n, c, t = x.shape
    k = codebook.shape[0]
    xf = jnp.transpose(x, (0, 2, 1)).reshape(-1, c)
    xsq = jnp.sum(xf ** 2, axis=-1, keepdims=True)
    k_w = codebook.T
    csq = jnp.sum(k_w ** 2, axis=0, keepdims=True)
    nt = xf.shape[0]

    idx = pl.pallas_call(
        _argmin_body,
        grid=(nt // _M_TILE,),
        in_specs=[
            pl.BlockSpec((_M_TILE, c), lambda i: (i, 0)),
            pl.BlockSpec((_M_TILE, 1), lambda i: (i, 0)),
            pl.BlockSpec((c, k), lambda i: (0, 0)),
            pl.BlockSpec((1, k), lambda i: (0, 0)),
        ],
        out_specs=pl.BlockSpec((_M_TILE, 1), lambda i: (i, 0)),
        out_shape=jax.ShapeDtypeStruct((nt, 1), jnp.int32),
    )(xf, xsq, k_w, csq)

    cb_pad = jnp.pad(codebook, ((0, 0), (0, 128 - c)))
    x_d = _sc_gather(cb_pad, idx.reshape(1, nt), nt, 128)[:, :c]

    x_d = xf + (x_d - xf)
    out = jnp.transpose(x_d.reshape(n, t, c), (0, 2, 1))
    commit_loss = jnp.array(0.0, dtype=jnp.float32)
    perplexity = jnp.array(0.0, dtype=jnp.float32)
    return (out, commit_loss, perplexity)

# --- scband reference (transcript-rebuilt; emitter-appended) ---
"""Pipeline reference for scband-quantize-emareset-75041668596243 (READ-ONLY COPY).

The authoritative reference and input builder live on the scoring server;
editing this copy changes nothing except your own understanding.
"""

import jax, jax.numpy as jnp
import numpy as np


def setup_inputs(seed: int = 0) -> dict:
    key = jax.random.key(seed)
    k1, k2 = jax.random.split(key)
    x = jax.random.normal(k1, (8, 32, 2048), dtype=jnp.float32)
    # learned codebook (register_buffer in torch, zeros there; randomized here so argmin is nontrivial)
    codebook = jax.random.normal(k2, (8192, 32), dtype=jnp.float32) * 0.02
    return {"x": x, "codebook": codebook}


def reference(x, codebook):
    N, width, T = x.shape
    # preprocess: NCT -> NTC -> [NT, C]
    xf = jnp.transpose(x, (0, 2, 1)).reshape(-1, width)
    # quantize: squared-distance argmin over codebook
    k_w = codebook.T  # [code_dim, nb_code]
    distance = (jnp.sum(xf ** 2, axis=-1, keepdims=True)
                - 2.0 * (xf @ k_w)
                + jnp.sum(k_w ** 2, axis=0, keepdims=True))
    code_idx = jnp.argmin(distance, axis=-1)
    # dequantize: embedding gather
    x_d = jnp.take(codebook, code_idx, axis=0)
    # straight-through estimator
    x_d = xf + jax.lax.stop_gradient(x_d - xf)
    # [NT, C] -> [N, T, C] -> [N, C, T]
    x_d = jnp.transpose(x_d.reshape(N, T, -1), (0, 2, 1))
    commit_loss = jnp.array(0.0, dtype=jnp.float32)
    perplexity = jnp.array(0.0, dtype=jnp.float32)
    return (x_d, commit_loss, perplexity)

if __name__ == "__main__":
    import jax
    _d = setup_inputs()
    print(jax.jit(kernel)(*tuple(_d.values())))

</pallas_src>

<mosaic_0001>
#map = affine_map<(d0, d1) -> (0, 0)>
module attributes {stable_mosaic.version = 14 : i64} {
  func.func @kern(%arg0: i32, %arg1: i32, %arg2: memref<8192x128xf32, #tpu.memory_space<hbm>>, %arg3: memref<1x16384xi32, #tpu.memory_space<hbm>>, %arg4: memref<16384x128xf32, #tpu.memory_space<hbm>>) attributes {dimension_semantics = [#tpu.dimension_semantics<core_parallel>, #tpu.dimension_semantics<subcore_parallel>], iteration_bounds = array<i64: 2, 16>, scalar_prefetch = 0 : i64, scratch_operands = 0 : i64, tpu.core_type = #tpu.core_type<sc_vector_subcore>, window_params = [{transform_indices = #map}, {transform_indices = #map}, {transform_indices = #map}]} {
    %mul3A = arith.constant 8 : i32
    %mul3A_0 = arith.muli %arg1, %mul3A : i32
    "tpu.region"() ({
      %run_scoped3A = memref.alloca() : memref<2x1x128xi32, #tpu.memory_space<vmem>>
      %run_scoped3A_1 = tpu.sem_alloc : memref<2x!tpu.dma_semaphore, #tpu.memory_space<semaphore_mem>>
      %run_scoped3A_2 = memref.alloca() : memref<2x128x128xf32, #tpu.memory_space<vmem>>
      %run_scoped3A_3 = tpu.sem_alloc : memref<2x!tpu.dma_semaphore, #tpu.memory_space<semaphore_mem>>
      %add3A = arith.constant 0 : i32
      %add3A_4 = arith.addi %add3A, %mul3A_0 : i32
      %select_n3A = arith.constant true
      %select_n3A_5 = arith.constant 0 : i32
      %select_n3A_6 = arith.constant -1 : i32
      %select_n3A_7 = arith.select %select_n3A, %select_n3A_6, %select_n3A_5 : i32
      %eq3A = arith.constant -1 : i32
      %eq3A_8 = arith.cmpi eq, %select_n3A_7, %eq3A : i32
      %select_n3A_9 = arith.constant 7 : i32
      %select_n3A_10 = arith.select %eq3A_8, %select_n3A_9, %select_n3A_7 : i32
      %add3A_11 = arith.addi %select_n3A_10, %mul3A_0 : i32
      %select_n3A_12 = arith.constant true
      %select_n3A_13 = arith.constant 0 : i32
      %select_n3A_14 = arith.constant 1 : i32
      %select_n3A_15 = arith.select %select_n3A_12, %select_n3A_14, %select_n3A_13 : i32
      %eq3A_16 = arith.constant 8 : i32
      %eq3A_17 = arith.cmpi eq, %select_n3A_15, %eq3A_16 : i32
      %select_n3A_18 = arith.constant 0 : i32
      %select_n3A_19 = arith.select %eq3A_17, %select_n3A_18, %select_n3A_15 : i32
      %add3A_20 = arith.addi %select_n3A_19, %mul3A_0 : i32
      %add3A_21 = arith.constant 1 : i32
      %add3A_22 = arith.addi %select_n3A_19, %add3A_21 : i32
      %select_n3A_23 = arith.constant true
      %select_n3A_24 = arith.select %select_n3A_23, %add3A_22, %select_n3A_19 : i32
      %eq3A_25 = arith.constant 8 : i32
      %eq3A_26 = arith.cmpi eq, %select_n3A_24, %eq3A_25 : i32
      %select_n3A_27 = arith.constant 0 : i32
      %select_n3A_28 = arith.select %eq3A_26, %select_n3A_27, %select_n3A_24 : i32
      %add3A_29 = arith.addi %select_n3A_28, %mul3A_0 : i32
      "tpu.trace_start"() <{level = 10 : i32, message = "ep_initialize_0"}> : () -> ()
      %rem3A = arith.constant 0 : i32
      %rem3A_30 = arith.constant 2 : i32
      %rem3A_31 = arith.remui %rem3A, %rem3A_30 : i32
      %mul3A_32 = arith.constant 128 : i32
      %mul3A_33 = arith.muli %mul3A_32, %add3A_4 : i32
      %dma_start3A = arith.constant 0 : i32
      %dma_start3A_34 = arith.constant 0 : i32
      %dma_start3A_35 = tpu.memref_slice %run_scoped3A[%rem3A_31, %dma_start3A, %dma_start3A_34] : memref<2x1x128xi32, #tpu.memory_space<vmem>> -> memref<1x1x128xi32, #tpu.memory_space<vmem>>
      %dma_start3A_36 = tpu.memref_squeeze %dma_start3A_35 : memref<1x1x128xi32, #tpu.memory_space<vmem>> -> memref<1x128xi32, #tpu.memory_space<vmem>>
      %dma_start3A_37 = arith.constant 0 : i32
      %dma_start3A_38 = tpu.memref_slice %arg3[%dma_start3A_37, %mul3A_33] : memref<1x16384xi32, #tpu.memory_space<hbm>> -> memref<1x128xi32, #tpu.memory_space<hbm>>
      %dma_start3A_39 = tpu.memref_slice %run_scoped3A_1[%rem3A_31] : memref<2x!tpu.dma_semaphore, #tpu.memory_space<semaphore_mem>> -> memref<1x!tpu.dma_semaphore, #tpu.memory_space<semaphore_mem>>
      %dma_start3A_40 = tpu.memref_squeeze %dma_start3A_39 : memref<1x!tpu.dma_semaphore, #tpu.memory_space<semaphore_mem>> -> memref<!tpu.dma_semaphore, #tpu.memory_space<semaphore_mem>>
      %dma_start3A_41 = arith.constant 0 : i32
      %dma_start3A_42 = arith.constant 0 : i32
      %dma_start3A_43 = tpu.memref_slice %run_scoped3A[%rem3A_31, %dma_start3A_41, %dma_start3A_42] : memref<2x1x128xi32, #tpu.memory_space<vmem>> -> memref<1x1x128xi32, #tpu.memory_space<vmem>>
      %dma_start3A_44 = tpu.memref_squeeze %dma_start3A_43 : memref<1x1x128xi32, #tpu.memory_space<vmem>> -> memref<1x128xi32, #tpu.memory_space<vmem>>
      %dma_start3A_45 = arith.constant 0 : i32
      %dma_start3A_46 = tpu.memref_slice %arg3[%dma_start3A_45, %mul3A_33] : memref<1x16384xi32, #tpu.memory_space<hbm>> -> memref<1x128xi32, #tpu.memory_space<hbm>>
      tpu.enqueue_dma source(%dma_start3A_46 : memref<1x128xi32, #tpu.memory_space<hbm>>) target(%dma_start3A_44 : memref<1x128xi32, #tpu.memory_space<vmem>>) target_semaphore(%dma_start3A_40 : memref<!tpu.dma_semaphore, #tpu.memory_space<semaphore_mem>>)
      %add3A_47 = arith.constant 0 : i32
      %add3A_48 = arith.constant 1 : i32
      %add3A_49 = arith.addi %add3A_47, %add3A_48 : i32
      %select_n3A_50 = arith.constant true
      %select_n3A_51 = arith.constant 0 : i32
      %select_n3A_52 = arith.select %select_n3A_50, %add3A_49, %select_n3A_51 : i32
      "tpu.trace_stop"() : () -> ()
      %scan3A = arith.constant 0 : i32
      %scan3A_53 = arith.constant 0 : i32
      %scan3A_54 = arith.constant 0 : i32
      %scan3A_55 = arith.constant 0 : i32
      %scan3A_56 = arith.constant 0 : i32
      %scan3A_57 = arith.constant 8 : i32
      %scan3A_58 = arith.addi %scan3A_56, %scan3A_57 : i32
      %scan3A_59 = arith.constant 1 : i32
      %scan3A_60:5 = scf.for %scan3A_114 = %scan3A_56 to %scan3A_58 step %scan3A_59 iter_args(%scan3A_115 = %select_n3A_52, %scan3A_116 = %scan3A, %scan3A_117 = %scan3A_53, %scan3A_118 = %scan3A_54, %scan3A_119 = %scan3A_55) -> (i32, i32, i32, i32, i32)  : i32 {
        %eq3A_120 = arith.constant 0 : i32
        %eq3A_121 = arith.cmpi eq, %scan3A_114, %eq3A_120 : i32
        %eq3A_122 = arith.constant 7 : i32
        %eq3A_123 = arith.cmpi eq, %scan3A_114, %eq3A_122 : i32
        %add3A_124 = arith.addi %scan3A_119, %mul3A_0 : i32
        %sub3A_125 = arith.constant 1 : i32
        %sub3A_126 = arith.subi %scan3A_119, %sub3A_125 : i32
        %select_n3A_127 = arith.constant true
        %select_n3A_128 = arith.select %select_n3A_127, %sub3A_126, %scan3A_119 : i32
        %eq3A_129 = arith.constant -1 : i32
        %eq3A_130 = arith.cmpi eq, %select_n3A_128, %eq3A_129 : i32
        %select_n3A_131 = arith.constant 7 : i32
        %select_n3A_132 = arith.select %eq3A_130, %select_n3A_131, %select_n3A_128 : i32
        %add3A_133 = arith.addi %select_n3A_132, %mul3A_0 : i32
        %add3A_134 = arith.constant 1 : i32
        %add3A_135 = arith.addi %scan3A_119, %add3A_134 : i32
        %select_n3A_136 = arith.constant true
        %select_n3A_137 = arith.select %select_n3A_136, %add3A_135, %scan3A_119 : i32
        %eq3A_138 = arith.constant 8 : i32
        %eq3A_139 = arith.cmpi eq, %select_n3A_137, %eq3A_138 : i32
        %select_n3A_140 = arith.constant 0 : i32
        %select_n3A_141 = arith.select %eq3A_139, %select_n3A_140, %select_n3A_137 : i32
        %add3A_142 = arith.addi %select_n3A_141, %mul3A_0 : i32
        %add3A_143 = arith.constant 1 : i32
        %add3A_144 = arith.addi %select_n3A_141, %add3A_143 : i32
        %select_n3A_145 = arith.constant true
        %select_n3A_146 = arith.select %select_n3A_145, %add3A_144, %select_n3A_141 : i32
        %eq3A_147 = arith.constant 8 : i32
        %eq3A_148 = arith.cmpi eq, %select_n3A_146, %eq3A_147 : i32
        %select_n3A_149 = arith.constant 0 : i32
        %select_n3A_150 = arith.select %eq3A_148, %select_n3A_149, %select_n3A_146 : i32
        %add3A_151 = arith.addi %select_n3A_150, %mul3A_0 : i32
        %ne3A = arith.cmpi ne, %add3A_124, %add3A_142 : i32
        %or3A = arith.constant false
        %or3A_152 = arith.ori %or3A, %ne3A : i1
        %ge3A = arith.constant 7 : i32
        %ge3A_153 = arith.cmpi sge, %scan3A_114, %ge3A : i32
        %not3A = arith.constant true
        %not3A_154 = arith.xori %ge3A_153, %not3A : i1
        %and3A = arith.andi %or3A_152, %not3A_154 : i1
        %convert_element_type3A = arith.extui %and3A : i1 to i32
        %cond3A = arith.constant 0 : i32
        %cond3A_155 = arith.cmpi ne, %convert_element_type3A, %cond3A : i32
        scf.if %cond3A_155 {
          "tpu.trace_start"() <{level = 10 : i32, message = "ep_copy_in"}> : () -> ()
          %rem3A_257 = arith.constant 2 : i32
          %rem3A_258 = arith.remui %scan3A_115, %rem3A_257 : i32
          %mul3A_259 = arith.constant 128 : i32
          %mul3A_260 = arith.muli %mul3A_259, %add3A_142 : i32
          %dma_start3A_261 = arith.constant 0 : i32
          %dma_start3A_262 = arith.constant 0 : i32
          %dma_start3A_263 = tpu.memref_slice %run_scoped3A[%rem3A_258, %dma_start3A_261, %dma_start3A_262] : memref<2x1x128xi32, #tpu.memory_space<vmem>> -> memref<1x1x128xi32, #tpu.memory_space<vmem>>
          %dma_start3A_264 = tpu.memref_squeeze %dma_start3A_263 : memref<1x1x128xi32, #tpu.memory_space<vmem>> -> memref<1x128xi32, #tpu.memory_space<vmem>>
          %dma_start3A_265 = arith.constant 0 : i32
          %dma_start3A_266 = tpu.memref_slice %arg3[%dma_start3A_265, %mul3A_260] : memref<1x16384xi32, #tpu.memory_space<hbm>> -> memref<1x128xi32, #tpu.memory_space<hbm>>
          %dma_start3A_267 = tpu.memref_slice %run_scoped3A_1[%rem3A_258] : memref<2x!tpu.dma_semaphore, #tpu.memory_space<semaphore_mem>> -> memref<1x!tpu.dma_semaphore, #tpu.memory_space<semaphore_mem>>
          %dma_start3A_268 = tpu.memref_squeeze %dma_start3A_267 : memref<1x!tpu.dma_semaphore, #tpu.memory_space<semaphore_mem>> -> memref<!tpu.dma_semaphore, #tpu.memory_space<semaphore_mem>>
          %dma_start3A_269 = arith.constant 0 : i32
          %dma_start3A_270 = arith.constant 0 : i32
          %dma_start3A_271 = tpu.memref_slice %run_scoped3A[%rem3A_258, %dma_start3A_269, %dma_start3A_270] : memref<2x1x128xi32, #tpu.memory_space<vmem>> -> memref<1x1x128xi32, #tpu.memory_space<vmem>>
          %dma_start3A_272 = tpu.memref_squeeze %dma_start3A_271 : memref<1x1x128xi32, #tpu.memory_space<vmem>> -> memref<1x128xi32, #tpu.memory_space<vmem>>
          %dma_start3A_273 = arith.constant 0 : i32
          %dma_start3A_274 = tpu.memref_slice %arg3[%dma_start3A_273, %mul3A_260] : memref<1x16384xi32, #tpu.memory_space<hbm>> -> memref<1x128xi32, #tpu.memory_space<hbm>>
          tpu.enqueue_dma source(%dma_start3A_274 : memref<1x128xi32, #tpu.memory_space<hbm>>) target(%dma_start3A_272 : memref<1x128xi32, #tpu.memory_space<vmem>>) target_semaphore(%dma_start3A_268 : memref<!tpu.dma_semaphore, #tpu.memory_space<semaphore_mem>>)
          "tpu.trace_stop"() : () -> ()
        } else {
        }
        %and3A_156 = arith.constant true
        %and3A_157 = arith.andi %and3A, %and3A_156 : i1
        %add3A_158 = arith.constant 1 : i32
        %add3A_159 = arith.addi %scan3A_115, %add3A_158 : i32
        %select_n3A_160 = arith.select %and3A_157, %add3A_159, %scan3A_115 : i32
        %ne3A_161 = arith.cmpi ne, %add3A_124, %add3A_142 : i32
        %or3A_162 = arith.constant false
        %or3A_163 = arith.ori %or3A_162, %ne3A_161 : i1
        %or3A_164 = arith.constant false
        %or3A_165 = arith.ori %or3A_163, %or3A_164 : i1
        %ge3A_166 = arith.constant 7 : i32
        %ge3A_167 = arith.cmpi sge, %scan3A_114, %ge3A_166 : i32
        %not3A_168 = arith.constant true
        %not3A_169 = arith.xori %ge3A_167, %not3A_168 : i1
        %and3A_170 = arith.andi %or3A_165, %not3A_169 : i1
        %ne3A_171 = arith.cmpi ne, %add3A_124, %add3A_133 : i32
        %or3A_172 = arith.constant false
        %or3A_173 = arith.ori %or3A_172, %ne3A_171 : i1
        %or3A_174 = arith.ori %or3A_173, %eq3A_121 : i1
        %convert_element_type3A_175 = arith.extui %or3A_174 : i1 to i32
        %cond3A_176 = arith.constant 0 : i32
        %cond3A_177 = arith.cmpi ne, %convert_element_type3A_175, %cond3A_176 : i32
        scf.if %cond3A_177 {
          "tpu.trace_start"() <{level = 10 : i32, message = "ep_wait_in"}> : () -> ()
          %mul3A_257 = arith.constant 128 : i32
          %mul3A_258 = arith.muli %mul3A_257, %add3A_124 : i32
          %rem3A_259 = arith.constant 2 : i32
          %rem3A_260 = arith.remui %scan3A_116, %rem3A_259 : i32
          %dma_wait3A_261 = arith.constant 0 : i32
          %dma_wait3A_262 = arith.constant 0 : i32
          %dma_wait3A_263 = tpu.memref_slice %run_scoped3A[%rem3A_260, %dma_wait3A_261, %dma_wait3A_262] : memref<2x1x128xi32, #tpu.memory_space<vmem>> -> memref<1x1x128xi32, #tpu.memory_space<vmem>>
          %dma_wait3A_264 = tpu.memref_squeeze %dma_wait3A_263 : memref<1x1x128xi32, #tpu.memory_space<vmem>> -> memref<1x128xi32, #tpu.memory_space<vmem>>
          %dma_wait3A_265 = arith.constant 0 : i32
          %dma_wait3A_266 = tpu.memref_slice %arg3[%dma_wait3A_265, %mul3A_258] : memref<1x16384xi32, #tpu.memory_space<hbm>> -> memref<1x128xi32, #tpu.memory_space<hbm>>
          %dma_wait3A_267 = tpu.memref_slice %run_scoped3A_1[%rem3A_260] : memref<2x!tpu.dma_semaphore, #tpu.memory_space<semaphore_mem>> -> memref<1x!tpu.dma_semaphore, #tpu.memory_space<semaphore_mem>>
          %dma_wait3A_268 = tpu.memref_squeeze %dma_wait3A_267 : memref<1x!tpu.dma_semaphore, #tpu.memory_space<semaphore_mem>> -> memref<!tpu.dma_semaphore, #tpu.memory_space<semaphore_mem>>
          %dma_wait3A_269 = arith.constant 0 : i32
          %dma_wait3A_270 = arith.constant 0 : i32
          %dma_wait3A_271 = tpu.memref_slice %run_scoped3A[%rem3A_260, %dma_wait3A_269, %dma_wait3A_270] : memref<2x1x128xi32, #tpu.memory_space<vmem>> -> memref<1x1x128xi32, #tpu.memory_space<vmem>>
          %dma_wait3A_272 = tpu.memref_squeeze %dma_wait3A_271 : memref<1x1x128xi32, #tpu.memory_space<vmem>> -> memref<1x128xi32, #tpu.memory_space<vmem>>
          %dma_wait3A_273 = arith.constant 0 : i32
          %dma_wait3A_274 = tpu.memref_slice %arg3[%dma_wait3A_273, %mul3A_258] : memref<1x16384xi32, #tpu.memory_space<hbm>> -> memref<1x128xi32, #tpu.memory_space<hbm>>
          tpu.wait_dma2 semaphore(%dma_wait3A_268 : memref<!tpu.dma_semaphore, #tpu.memory_space<semaphore_mem>>) src(%dma_wait3A_274 : memref<1x128xi32, #tpu.memory_space<hbm>>) dst(%dma_wait3A_272 : memref<1x128xi32, #tpu.memory_space<vmem>>)
          "tpu.trace_stop"() : () -> ()
        } else {
        }
        %ne3A_178 = arith.cmpi ne, %add3A_124, %add3A_133 : i32
        %or3A_179 = arith.constant false
        %or3A_180 = arith.ori %or3A_179, %ne3A_178 : i1
        %or3A_181 = arith.constant false
        %or3A_182 = arith.ori %or3A_180, %or3A_181 : i1
        %or3A_183 = arith.ori %or3A_182, %eq3A_121 : i1
        %convert_element_type3A_184 = arith.extui %or3A_183 : i1 to i32
        %cond3A_185 = arith.constant 0 : i32
        %cond3A_186 = arith.cmpi ne, %convert_element_type3A_184, %cond3A_185 : i32
        scf.if %cond3A_186 {
        } else {
        }
        %rem3A_187 = arith.constant 2 : i32
        %rem3A_188 = arith.remui %scan3A_116, %rem3A_187 : i32
        %rem3A_189 = arith.constant 2 : i32
        %rem3A_190 = arith.remui %scan3A_117, %rem3A_189 : i32
        %run_scoped3A_191 = arith.constant 0 : i32
        "tpu.trace_start"() <{level = 10 : i32, message = "ep_run_kernel"}> : () -> ()
        "tpu.region"() ({
          %run_scoped3A_257 = tpu.sem_alloc : memref<!tpu.dma_semaphore, #tpu.memory_space<semaphore_mem>>
          %dma_start3A_258 = arith.constant 0 : i32
          %dma_start3A_259 = arith.constant 0 : i32
          %dma_start3A_260 = tpu.memref_slice %run_scoped3A_2[%rem3A_190, %dma_start3A_258, %dma_start3A_259] : memref<2x128x128xf32, #tpu.memory_space<vmem>> -> memref<1x128x128xf32, #tpu.memory_space<vmem>>
          %dma_start3A_261 = tpu.memref_squeeze %dma_start3A_260 : memref<1x128x128xf32, #tpu.memory_space<vmem>> -> memref<128x128xf32, #tpu.memory_space<vmem>>
          %dma_start3A_262 = arith.constant 0 : i32
          %dma_start3A_263 = arith.constant 0 : i32
          %dma_start3A_264 = tpu.memref_slice %run_scoped3A[%rem3A_188, %dma_start3A_262, %dma_start3A_263] : memref<2x1x128xi32, #tpu.memory_space<vmem>> -> memref<1x1x128xi32, #tpu.memory_space<vmem>>
          %dma_start3A_265 = tpu.memref_squeeze %dma_start3A_264 : memref<1x1x128xi32, #tpu.memory_space<vmem>> -> memref<1x128xi32, #tpu.memory_space<vmem>>
          %dma_start3A_266 = arith.constant 0 : i32
          %dma_start3A_267 = tpu.memref_slice %dma_start3A_265[%run_scoped3A_191, %dma_start3A_266] : memref<1x128xi32, #tpu.memory_space<vmem>> -> memref<1x128xi32, #tpu.memory_space<vmem>>
          %dma_start3A_268 = tpu.memref_squeeze %dma_start3A_267 : memref<1x128xi32, #tpu.memory_space<vmem>> -> memref<128xi32, #tpu.memory_space<vmem>>
          %dma_start3A_269 = arith.constant 0 : i32
          %dma_start3A_270 = arith.constant 0 : i32
          %dma_start3A_271 = tpu.memref_slice %arg2[%dma_start3A_269, %dma_start3A_270] : memref<8192x128xf32, #tpu.memory_space<hbm>> -> memref<8192x128xf32, #tpu.memory_space<hbm>>
          tpu.enqueue_indirect_dma source(%dma_start3A_271 : memref<8192x128xf32, #tpu.memory_space<hbm>>) target(%dma_start3A_261 : memref<128x128xf32, #tpu.memory_space<vmem>>) offsets(%dma_start3A_268 : memref<128xi32, #tpu.memory_space<vmem>>) semaphore(%run_scoped3A_257 : memref<!tpu.dma_semaphore, #tpu.memory_space<semaphore_mem>>)
          %dma_wait3A_272 = arith.constant 0 : i32
          %dma_wait3A_273 = arith.constant 0 : i32
          %dma_wait3A_274 = tpu.memref_slice %run_scoped3A_2[%rem3A_190, %dma_wait3A_272, %dma_wait3A_273] : memref<2x128x128xf32, #tpu.memory_space<vmem>> -> memref<1x128x128xf32, #tpu.memory_space<vmem>>
          %dma_wait3A_275 = tpu.memref_squeeze %dma_wait3A_274 : memref<1x128x128xf32, #tpu.memory_space<vmem>> -> memref<128x128xf32, #tpu.memory_space<vmem>>
          %dma_wait3A_276 = arith.constant 0 : i32
          %dma_wait3A_277 = arith.constant 0 : i32
          %dma_wait3A_278 = tpu.memref_slice %run_scoped3A[%rem3A_188, %dma_wait3A_276, %dma_wait3A_277] : memref<2x1x128xi32, #tpu.memory_space<vmem>> -> memref<1x1x128xi32, #tpu.memory_space<vmem>>
          %dma_wait3A_279 = tpu.memref_squeeze %dma_wait3A_278 : memref<1x1x128xi32, #tpu.memory_space<vmem>> -> memref<1x128xi32, #tpu.memory_space<vmem>>
          %dma_wait3A_280 = arith.constant 0 : i32
          %dma_wait3A_281 = tpu.memref_slice %dma_wait3A_279[%run_scoped3A_191, %dma_wait3A_280] : memref<1x128xi32, #tpu.memory_space<vmem>> -> memref<1x128xi32, #tpu.memory_space<vmem>>
          %dma_wait3A_282 = tpu.memref_squeeze %dma_wait3A_281 : memref<1x128xi32, #tpu.memory_space<vmem>> -> memref<128xi32, #tpu.memory_space<vmem>>
          %dma_wait3A_283 = arith.constant 0 : i32
          %dma_wait3A_284 = arith.constant 0 : i32
          %dma_wait3A_285 = tpu.memref_slice %arg2[%dma_wait3A_283, %dma_wait3A_284] : memref<8192x128xf32, #tpu.memory_space<hbm>> -> memref<8192x128xf32, #tpu.memory_space<hbm>>
          tpu.wait_indirect_dma semaphore(%run_scoped3A_257 : memref<!tpu.dma_semaphore, #tpu.memory_space<semaphore_mem>>) src(%dma_wait3A_285 : memref<8192x128xf32, #tpu.memory_space<hbm>>) dst(%dma_wait3A_275 : memref<128x128xf32, #tpu.memory_space<vmem>>)
          tpu.yield
        }) : () -> ()
        "tpu.trace_stop"() : () -> ()
        %ne3A_192 = arith.cmpi ne, %add3A_124, %add3A_142 : i32
        %or3A_193 = arith.constant false
        %or3A_194 = arith.ori %or3A_193, %ne3A_192 : i1
        %or3A_195 = arith.ori %or3A_194, %eq3A_123 : i1
        %convert_element_type3A_196 = arith.extui %or3A_195 : i1 to i32
        %cond3A_197 = arith.constant 0 : i32
        %cond3A_198 = arith.cmpi ne, %convert_element_type3A_196, %cond3A_197 : i32
        scf.if %cond3A_198 {
        } else {
        }
        %and3A_199 = arith.constant false
        %and3A_200 = arith.andi %or3A_195, %and3A_199 : i1
        %ne3A_201 = arith.cmpi ne, %add3A_124, %add3A_142 : i32
        %or3A_202 = arith.constant false
        %or3A_203 = arith.ori %or3A_202, %ne3A_201 : i1
        %or3A_204 = arith.constant false
        %or3A_205 = arith.ori %or3A_203, %or3A_204 : i1
        %or3A_206 = arith.ori %or3A_205, %eq3A_123 : i1
        %convert_element_type3A_207 = arith.extui %or3A_206 : i1 to i32
        %cond3A_208 = arith.constant 0 : i32
        %cond3A_209 = arith.cmpi ne, %convert_element_type3A_207, %cond3A_208 : i32
        scf.if %cond3A_209 {
          "tpu.trace_start"() <{level = 10 : i32, message = "ep_copy_out"}> : () -> ()
          %rem3A_257 = arith.constant 2 : i32
          %rem3A_258 = arith.remui %scan3A_117, %rem3A_257 : i32
          %mul3A_259 = arith.constant 128 : i32
          %mul3A_260 = arith.muli %mul3A_259, %add3A_124 : i32
          %dma_start3A_261 = arith.constant 0 : i32
          %dma_start3A_262 = arith.constant 0 : i32
          %dma_start3A_263 = tpu.memref_slice %run_scoped3A_2[%rem3A_258, %dma_start3A_261, %dma_start3A_262] : memref<2x128x128xf32, #tpu.memory_space<vmem>> -> memref<1x128x128xf32, #tpu.memory_space<vmem>>
          %dma_start3A_264 = tpu.memref_squeeze %dma_start3A_263 : memref<1x128x128xf32, #tpu.memory_space<vmem>> -> memref<128x128xf32, #tpu.memory_space<vmem>>
          %dma_start3A_265 = arith.constant 0 : i32
          %dma_start3A_266 = tpu.memref_slice %arg4[%mul3A_260, %dma_start3A_265] : memref<16384x128xf32, #tpu.memory_space<hbm>> -> memref<128x128xf32, #tpu.memory_space<hbm>>
          %dma_start3A_267 = tpu.memref_slice %run_scoped3A_3[%rem3A_258] : memref<2x!tpu.dma_semaphore, #tpu.memory_space<semaphore_mem>> -> memref<1x!tpu.dma_semaphore, #tpu.memory_space<semaphore_mem>>
          %dma_start3A_268 = tpu.memref_squeeze %dma_start3A_267 : memref<1x!tpu.dma_semaphore, #tpu.memory_space<semaphore_mem>> -> memref<!tpu.dma_semaphore, #tpu.memory_space<semaphore_mem>>
          %dma_start3A_269 = arith.constant 0 : i32
          %dma_start3A_270 = tpu.memref_slice %arg4[%mul3A_260, %dma_start3A_269] : memref<16384x128xf32, #tpu.memory_space<hbm>> -> memref<128x128xf32, #tpu.memory_space<hbm>>
          %dma_start3A_271 = arith.constant 0 : i32
          %dma_start3A_272 = arith.constant 0 : i32
          %dma_start3A_273 = tpu.memref_slice %run_scoped3A_2[%rem3A_258, %dma_start3A_271, %dma_start3A_272] : memref<2x128x128xf32, #tpu.memory_space<vmem>> -> memref<1x128x128xf32, #tpu.memory_space<vmem>>
          %dma_start3A_274 = tpu.memref_squeeze %dma_start3A_273 : memref<1x128x128xf32, #tpu.memory_space<vmem>> -> memref<128x128xf32, #tpu.memory_space<vmem>>
          tpu.enqueue_dma source(%dma_start3A_274 : memref<128x128xf32, #tpu.memory_space<vmem>>) target(%dma_start3A_270 : memref<128x128xf32, #tpu.memory_space<hbm>>) target_semaphore(%dma_start3A_268 : memref<!tpu.dma_semaphore, #tpu.memory_space<semaphore_mem>>)
          "tpu.trace_stop"() : () -> ()
        } else {
        }
        %and3A_210 = arith.constant true
        %and3A_211 = arith.andi %or3A_206, %and3A_210 : i1
        %add3A_212 = arith.constant 1 : i32
        %add3A_213 = arith.addi %scan3A_117, %add3A_212 : i32
        %select_n3A_214 = arith.select %and3A_211, %add3A_213, %scan3A_117 : i32
        %ne3A_215 = arith.cmpi ne, %add3A_124, %add3A_133 : i32
        %or3A_216 = arith.constant false
        %or3A_217 = arith.ori %or3A_216, %ne3A_215 : i1
        %not3A_218 = arith.constant true
        %not3A_219 = arith.xori %eq3A_121, %not3A_218 : i1
        %and3A_220 = arith.andi %or3A_217, %not3A_219 : i1
        %convert_element_type3A_221 = arith.extui %and3A_220 : i1 to i32
        %cond3A_222 = arith.constant 0 : i32
        %cond3A_223 = arith.cmpi ne, %convert_element_type3A_221, %cond3A_222 : i32
        scf.if %cond3A_223 {
        } else {
        }
        %and3A_224 = arith.constant false
        %and3A_225 = arith.andi %and3A_220, %and3A_224 : i1
        %ne3A_226 = arith.cmpi ne, %add3A_124, %add3A_133 : i32
        %or3A_227 = arith.constant false
        %or3A_228 = arith.ori %or3A_227, %ne3A_226 : i1
        %or3A_229 = arith.constant false
        %or3A_230 = arith.ori %or3A_228, %or3A_229 : i1
        %not3A_231 = arith.constant true
        %not3A_232 = arith.xori %eq3A_121, %not3A_231 : i1
        %and3A_233 = arith.andi %or3A_230, %not3A_232 : i1
        %convert_element_type3A_234 = arith.extui %and3A_233 : i1 to i32
        %cond3A_235 = arith.constant 0 : i32
        %cond3A_236 = arith.cmpi ne, %convert_element_type3A_234, %cond3A_235 : i32
        scf.if %cond3A_236 {
          "tpu.trace_start"() <{level = 10 : i32, message = "ep_wait_out"}> : () -> ()
          %rem3A_257 = arith.constant 2 : i32
          %rem3A_258 = arith.remui %scan3A_118, %rem3A_257 : i32
          %mul3A_259 = arith.constant 128 : i32
          %mul3A_260 = arith.muli %mul3A_259, %add3A_133 : i32
          %dma_wait3A_261 = arith.constant 0 : i32
          %dma_wait3A_262 = arith.constant 0 : i32
          %dma_wait3A_263 = tpu.memref_slice %run_scoped3A_2[%rem3A_258, %dma_wait3A_261, %dma_wait3A_262] : memref<2x128x128xf32, #tpu.memory_space<vmem>> -> memref<1x128x128xf32, #tpu.memory_space<vmem>>
          %dma_wait3A_264 = tpu.memref_squeeze %dma_wait3A_263 : memref<1x128x128xf32, #tpu.memory_space<vmem>> -> memref<128x128xf32, #tpu.memory_space<vmem>>
          %dma_wait3A_265 = arith.constant 0 : i32
          %dma_wait3A_266 = tpu.memref_slice %arg4[%mul3A_260, %dma_wait3A_265] : memref<16384x128xf32, #tpu.memory_space<hbm>> -> memref<128x128xf32, #tpu.memory_space<hbm>>
          %dma_wait3A_267 = tpu.memref_slice %run_scoped3A_3[%rem3A_258] : memref<2x!tpu.dma_semaphore, #tpu.memory_space<semaphore_mem>> -> memref<1x!tpu.dma_semaphore, #tpu.memory_space<semaphore_mem>>
          %dma_wait3A_268 = tpu.memref_squeeze %dma_wait3A_267 : memref<1x!tpu.dma_semaphore, #tpu.memory_space<semaphore_mem>> -> memref<!tpu.dma_semaphore, #tpu.memory_space<semaphore_mem>>
          %dma_wait3A_269 = arith.constant 0 : i32
          %dma_wait3A_270 = tpu.memref_slice %arg4[%mul3A_260, %dma_wait3A_269] : memref<16384x128xf32, #tpu.memory_space<hbm>> -> memref<128x128xf32, #tpu.memory_space<hbm>>
          %dma_wait3A_271 = arith.constant 0 : i32
          %dma_wait3A_272 = arith.constant 0 : i32
          %dma_wait3A_273 = tpu.memref_slice %run_scoped3A_2[%rem3A_258, %dma_wait3A_271, %dma_wait3A_272] : memref<2x128x128xf32, #tpu.memory_space<vmem>> -> memref<1x128x128xf32, #tpu.memory_space<vmem>>
          %dma_wait3A_274 = tpu.memref_squeeze %dma_wait3A_273 : memref<1x128x128xf32, #tpu.memory_space<vmem>> -> memref<128x128xf32, #tpu.memory_space<vmem>>
          tpu.wait_dma2 semaphore(%dma_wait3A_268 : memref<!tpu.dma_semaphore, #tpu.memory_space<semaphore_mem>>) src(%dma_wait3A_274 : memref<128x128xf32, #tpu.memory_space<vmem>>) dst(%dma_wait3A_270 : memref<128x128xf32, #tpu.memory_space<hbm>>)
          "tpu.trace_stop"() : () -> ()
        } else {
        }
        %and3A_237 = arith.constant true
        %and3A_238 = arith.andi %and3A_233, %and3A_237 : i1
        %add3A_239 = arith.constant 1 : i32
        %add3A_240 = arith.addi %scan3A_118, %add3A_239 : i32
        %select_n3A_241 = arith.select %and3A_238, %add3A_240, %scan3A_118 : i32
        %ne3A_242 = arith.cmpi ne, %add3A_124, %add3A_142 : i32
        %or3A_243 = arith.constant false
        %or3A_244 = arith.ori %or3A_243, %ne3A_242 : i1
        %or3A_245 = arith.ori %or3A_244, %eq3A_123 : i1
        %add3A_246 = arith.constant 1 : i32
        %add3A_247 = arith.addi %scan3A_116, %add3A_246 : i32
        %select_n3A_248 = arith.select %or3A_245, %add3A_247, %scan3A_116 : i32
        %add3A_249 = arith.constant 1 : i32
        %add3A_250 = arith.addi %scan3A_119, %add3A_249 : i32
        %select_n3A_251 = arith.constant true
        %select_n3A_252 = arith.select %select_n3A_251, %add3A_250, %scan3A_119 : i32
        %eq3A_253 = arith.constant 8 : i32
        %eq3A_254 = arith.cmpi eq, %select_n3A_252, %eq3A_253 : i32
        %select_n3A_255 = arith.constant 0 : i32
        %select_n3A_256 = arith.select %eq3A_254, %select_n3A_255, %select_n3A_252 : i32
        scf.yield %select_n3A_160, %select_n3A_248, %select_n3A_214, %select_n3A_241, %select_n3A_256 : i32, i32, i32, i32, i32
      }
      %scan3A_61 = arith.constant 8 : i32
      %sub3A = arith.constant 1 : i32
      %sub3A_62 = arith.subi %scan3A_60#4, %sub3A : i32
      %select_n3A_63 = arith.constant true
      %select_n3A_64 = arith.select %select_n3A_63, %sub3A_62, %scan3A_60#4 : i32
      %eq3A_65 = arith.constant -1 : i32
      %eq3A_66 = arith.cmpi eq, %select_n3A_64, %eq3A_65 : i32
      %select_n3A_67 = arith.constant 7 : i32
      %select_n3A_68 = arith.select %eq3A_66, %select_n3A_67, %select_n3A_64 : i32
      %add3A_69 = arith.addi %select_n3A_68, %mul3A_0 : i32
      %sub3A_70 = arith.constant 1 : i32
      %sub3A_71 = arith.subi %select_n3A_68, %sub3A_70 : i32
      %select_n3A_72 = arith.constant true
      %select_n3A_73 = arith.select %select_n3A_72, %sub3A_71, %select_n3A_68 : i32
      %eq3A_74 = arith.constant -1 : i32
      %eq3A_75 = arith.cmpi eq, %select_n3A_73, %eq3A_74 : i32
      %select_n3A_76 = arith.constant 7 : i32
      %select_n3A_77 = arith.select %eq3A_75, %select_n3A_76, %select_n3A_73 : i32
      %add3A_78 = arith.addi %select_n3A_77, %mul3A_0 : i32
      %add3A_79 = arith.constant 1 : i32
      %add3A_80 = arith.addi %select_n3A_68, %add3A_79 : i32
      %select_n3A_81 = arith.constant true
      %select_n3A_82 = arith.select %select_n3A_81, %add3A_80, %select_n3A_68 : i32
      %eq3A_83 = arith.constant 8 : i32
      %eq3A_84 = arith.cmpi eq, %select_n3A_82, %eq3A_83 : i32
      %select_n3A_85 = arith.constant 0 : i32
      %select_n3A_86 = arith.select %eq3A_84, %select_n3A_85, %select_n3A_82 : i32
      %add3A_87 = arith.addi %select_n3A_86, %mul3A_0 : i32
      %add3A_88 = arith.constant 1 : i32
      %add3A_89 = arith.addi %select_n3A_86, %add3A_88 : i32
      %select_n3A_90 = arith.constant true
      %select_n3A_91 = arith.select %select_n3A_90, %add3A_89, %select_n3A_86 : i32
      %eq3A_92 = arith.constant 8 : i32
      %eq3A_93 = arith.cmpi eq, %select_n3A_91, %eq3A_92 : i32
      %select_n3A_94 = arith.constant 0 : i32
      %select_n3A_95 = arith.select %eq3A_93, %select_n3A_94, %select_n3A_91 : i32
      %add3A_96 = arith.addi %select_n3A_95, %mul3A_0 : i32
      "tpu.trace_start"() <{level = 10 : i32, message = "ep_finalize"}> : () -> ()
      %rem3A_97 = arith.constant 2 : i32
      %rem3A_98 = arith.remui %scan3A_60#3, %rem3A_97 : i32
      %mul3A_99 = arith.constant 128 : i32
      %mul3A_100 = arith.muli %mul3A_99, %add3A_69 : i32
      %dma_wait3A = arith.constant 0 : i32
      %dma_wait3A_101 = arith.constant 0 : i32
      %dma_wait3A_102 = tpu.memref_slice %run_scoped3A_2[%rem3A_98, %dma_wait3A, %dma_wait3A_101] : memref<2x128x128xf32, #tpu.memory_space<vmem>> -> memref<1x128x128xf32, #tpu.memory_space<vmem>>
      %dma_wait3A_103 = tpu.memref_squeeze %dma_wait3A_102 : memref<1x128x128xf32, #tpu.memory_space<vmem>> -> memref<128x128xf32, #tpu.memory_space<vmem>>
      %dma_wait3A_104 = arith.constant 0 : i32
      %dma_wait3A_105 = tpu.memref_slice %arg4[%mul3A_100, %dma_wait3A_104] : memref<16384x128xf32, #tpu.memory_space<hbm>> -> memref<128x128xf32, #tpu.memory_space<hbm>>
      %dma_wait3A_106 = tpu.memref_slice %run_scoped3A_3[%rem3A_98] : memref<2x!tpu.dma_semaphore, #tpu.memory_space<semaphore_mem>> -> memref<1x!tpu.dma_semaphore, #tpu.memory_space<semaphore_mem>>
      %dma_wait3A_107 = tpu.memref_squeeze %dma_wait3A_106 : memref<1x!tpu.dma_semaphore, #tpu.memory_space<semaphore_mem>> -> memref<!tpu.dma_semaphore, #tpu.memory_space<semaphore_mem>>
      %dma_wait3A_108 = arith.constant 0 : i32
      %dma_wait3A_109 = tpu.memref_slice %arg4[%mul3A_100, %dma_wait3A_108] : memref<16384x128xf32, #tpu.memory_space<hbm>> -> memref<128x128xf32, #tpu.memory_space<hbm>>
      %dma_wait3A_110 = arith.constant 0 : i32
      %dma_wait3A_111 = arith.constant 0 : i32
      %dma_wait3A_112 = tpu.memref_slice %run_scoped3A_2[%rem3A_98, %dma_wait3A_110, %dma_wait3A_111] : memref<2x128x128xf32, #tpu.memory_space<vmem>> -> memref<1x128x128xf32, #tpu.memory_space<vmem>>
      %dma_wait3A_113 = tpu.memref_squeeze %dma_wait3A_112 : memref<1x128x128xf32, #tpu.memory_space<vmem>> -> memref<128x128xf32, #tpu.memory_space<vmem>>
      tpu.wait_dma2 semaphore(%dma_wait3A_107 : memref<!tpu.dma_semaphore, #tpu.memory_space<semaphore_mem>>) src(%dma_wait3A_113 : memref<128x128xf32, #tpu.memory_space<vmem>>) dst(%dma_wait3A_109 : memref<128x128xf32, #tpu.memory_space<hbm>>)
      "tpu.trace_stop"() : () -> ()
      tpu.yield
    }) : () -> ()
    return
  }
}

module attributes {stable_mosaic.version = 14 : i64} {
  func.func @_argmin_body(%arg0: i32, %arg1: memref<1024x32xf32, #tpu.memory_space<vmem>>, %arg2: memref<1024x1xf32, #tpu.memory_space<vmem>>, %arg3: memref<32x8192xf32, #tpu.memory_space<vmem>>, %arg4: memref<1x8192xf32, #tpu.memory_space<vmem>>, %arg5: memref<1024x1xi32, #tpu.memory_space<vmem>>) attributes {dimension_semantics = [#tpu.dimension_semantics<arbitrary>], iteration_bounds = array<i64: 16>, scalar_prefetch = 0 : i64, scratch_operands = 0 : i64, tpu.core_type = #tpu.core_type<tc>, window_params = [{transform_indices = @transform_0, window_bounds = array<i64: 1024, 32>}, {transform_indices = @transform_1, window_bounds = array<i64: 1024, 1>}, {pipeline_mode = #tpu.pipeline_mode<synchronous>, transform_indices = @transform_2, window_bounds = array<i64: 32, 8192>}, {pipeline_mode = #tpu.pipeline_mode<synchronous>, transform_indices = @transform_3, window_bounds = array<i64: 1, 8192>}, {transform_indices = @transform_4, window_bounds = array<i64: 1024, 1>}]} {
    %get3A = arith.constant 0 : index
    %get3A_0 = arith.constant 0 : index
    %get3A_1 = vector.load %arg1[%get3A, %get3A_0] : memref<1024x32xf32, #tpu.memory_space<vmem>>, vector<1024x32xf32>
    %get3A_2 = arith.constant 0 : index
    %get3A_3 = arith.constant 0 : index
    %get3A_4 = vector.load %arg3[%get3A_2, %get3A_3] : memref<32x8192xf32, #tpu.memory_space<vmem>>, vector<32x8192xf32>
    %dot_general3A = arith.constant dense<0.000000e+00> : vector<1024x8192xf32>
    %dot_general3A_5 = tpu.matmul %get3A_1, %get3A_4, %dot_general3A {dimension_numbers = #tpu.dot_dimension_numbers<[1], [0], [0], [1], [0, 0, 1, 1], [], []>, transpose_lhs_hint = false} : vector<1024x32xf32>, vector<32x8192xf32>, vector<1024x8192xf32> -> vector<1024x8192xf32>
    %get3A_6 = arith.constant 0 : index
    %get3A_7 = arith.constant 0 : index
    %get3A_8 = vector.load %arg2[%get3A_6, %get3A_7] : memref<1024x1xf32, #tpu.memory_space<vmem>>, vector<1024x1xf32>
    %mul3A = arith.constant 2.000000e+00 : f32
    %mul3A_9 = vector.broadcast %mul3A : f32 to vector<1024x8192xf32>
    %mul3A_10 = arith.mulf %mul3A_9, %dot_general3A_5 : vector<1024x8192xf32>
    %sub3A = vector.broadcast %get3A_8 : vector<1024x1xf32> to vector<1024x8192xf32>
    %sub3A_11 = arith.subf %sub3A, %mul3A_10 : vector<1024x8192xf32>
    %get3A_12 = arith.constant 0 : index
    %get3A_13 = arith.constant 0 : index
    %get3A_14 = vector.load %arg4[%get3A_12, %get3A_13] : memref<1x8192xf32, #tpu.memory_space<vmem>>, vector<1x8192xf32>
    %add3A = vector.broadcast %get3A_14 : vector<1x8192xf32> to vector<1024x8192xf32>
    %add3A_15 = arith.addf %sub3A_11, %add3A : vector<1024x8192xf32>
    %slice3A = vector.extract_strided_slice %add3A_15 {offsets = [0, 0], sizes = [1024, 4096], strides = [1, 1]} : vector<1024x8192xf32> to vector<1024x4096xf32>
    %reduce_min3A = arith.constant dense<0x7F800000> : vector<1024xf32>
    %reduce_min3A_16 = vector.multi_reduction <minimumf>, %slice3A, %reduce_min3A [1] : vector<1024x4096xf32> to vector<1024xf32>
    %broadcast_in_dim3A = vector.shape_cast %reduce_min3A_16 : vector<1024xf32> to vector<1024x1xf32>
    %iota3A = tpu.iota {dimensions = array<i32: 1>} : vector<1024x4096xi32>
    %eq3A = vector.broadcast %broadcast_in_dim3A : vector<1024x1xf32> to vector<1024x4096xf32>
    %eq3A_17 = arith.cmpf oeq, %slice3A, %eq3A : vector<1024x4096xf32>
    %jit3A = arith.constant 4096 : i32
    %broadcast_in_dim3A_18 = vector.broadcast %jit3A : i32 to vector<1024x4096xi32>
    %select_n3A = arith.select %eq3A_17, %iota3A, %broadcast_in_dim3A_18 : vector<1024x4096xi1>, vector<1024x4096xi32>
    %reduce_min3A_19 = arith.constant dense<2147483647> : vector<1024xi32>
    %reduce_min3A_20 = vector.multi_reduction <minsi>, %select_n3A, %reduce_min3A_19 [1] : vector<1024x4096xi32> to vector<1024xi32>
    %broadcast_in_dim3A_21 = vector.shape_cast %reduce_min3A_20 : vector<1024xi32> to vector<1024x1xi32>
    %add3A_22 = arith.constant 0 : i32
    %add3A_23 = vector.broadcast %add3A_22 : i32 to vector<1024x1xi32>
    %add3A_24 = arith.addi %broadcast_in_dim3A_21, %add3A_23 : vector<1024x1xi32>
    %slice3A_25 = vector.extract_strided_slice %add3A_15 {offsets = [0, 4096], sizes = [1024, 4096], strides = [1, 1]} : vector<1024x8192xf32> to vector<1024x4096xf32>
    %reduce_min3A_26 = arith.constant dense<0x7F800000> : vector<1024xf32>
    %reduce_min3A_27 = vector.multi_reduction <minimumf>, %slice3A_25, %reduce_min3A_26 [1] : vector<1024x4096xf32> to vector<1024xf32>
    %broadcast_in_dim3A_28 = vector.shape_cast %reduce_min3A_27 : vector<1024xf32> to vector<1024x1xf32>
    %iota3A_29 = tpu.iota {dimensions = array<i32: 1>} : vector<1024x4096xi32>
    %eq3A_30 = vector.broadcast %broadcast_in_dim3A_28 : vector<1024x1xf32> to vector<1024x4096xf32>
    %eq3A_31 = arith.cmpf oeq, %slice3A_25, %eq3A_30 : vector<1024x4096xf32>
    %jit3A_32 = arith.constant 4096 : i32
    %broadcast_in_dim3A_33 = vector.broadcast %jit3A_32 : i32 to vector<1024x4096xi32>
    %select_n3A_34 = arith.select %eq3A_31, %iota3A_29, %broadcast_in_dim3A_33 : vector<1024x4096xi1>, vector<1024x4096xi32>
    %reduce_min3A_35 = arith.constant dense<2147483647> : vector<1024xi32>
    %reduce_min3A_36 = vector.multi_reduction <minsi>, %select_n3A_34, %reduce_min3A_35 [1] : vector<1024x4096xi32> to vector<1024xi32>
    %broadcast_in_dim3A_37 = vector.shape_cast %reduce_min3A_36 : vector<1024xi32> to vector<1024x1xi32>
    %add3A_38 = arith.constant 4096 : i32
    %add3A_39 = vector.broadcast %add3A_38 : i32 to vector<1024x1xi32>
    %add3A_40 = arith.addi %broadcast_in_dim3A_37, %add3A_39 : vector<1024x1xi32>
    %convert_element_type3A = arith.truncf %broadcast_in_dim3A : vector<1024x1xf32> to vector<1024x1xbf16>
    %convert_element_type3A_41 = arith.extf %convert_element_type3A : vector<1024x1xbf16> to vector<1024x1xf32>
    %lt3A = arith.cmpf olt, %broadcast_in_dim3A_28, %convert_element_type3A_41 : vector<1024x1xf32>
    %select_n3A_42 = arith.select %lt3A, %add3A_40, %add3A_24 : vector<1024x1xi1>, vector<1024x1xi32>
    %swap3A = arith.constant 0 : index
    %swap3A_43 = arith.constant 0 : index
    %swap3A_44 = vector.load %arg5[%swap3A, %swap3A_43] : memref<1024x1xi32, #tpu.memory_space<vmem>>, vector<1024x1xi32>
    tpu.vector_store %arg5[%swap3A, %swap3A_43], %select_n3A_42 {strides = array<i32>} : memref<1024x1xi32, #tpu.memory_space<vmem>>, vector<1024x1xi32>,
    return
  }
  func.func @transform_0(%arg0: i32) -> (i32, i32) {
    %c0_i32 = arith.constant 0 : i32
    %c0_i32_0 = arith.constant 0 : i32
    return %arg0, %c0_i32 : i32, i32
  }
  func.func @transform_1(%arg0: i32) -> (i32, i32) {
    %c0_i32 = arith.constant 0 : i32
    %c0_i32_0 = arith.constant 0 : i32
    return %arg0, %c0_i32 : i32, i32
  }
  func.func @transform_2(%arg0: i32) -> (i32, i32) {
    %c0_i32 = arith.constant 0 : i32
    %c0_i32_0 = arith.constant 0 : i32
    %c0_i32_1 = arith.constant 0 : i32
    return %c0_i32, %c0_i32_0 : i32, i32
  }
  func.func @transform_3(%arg0: i32) -> (i32, i32) {
    %c0_i32 = arith.constant 0 : i32
    %c0_i32_0 = arith.constant 0 : i32
    %c0_i32_1 = arith.constant 0 : i32
    return %c0_i32, %c0_i32_0 : i32, i32
  }
  func.func @transform_4(%arg0: i32) -> (i32, i32) {
    %c0_i32 = arith.constant 0 : i32
    %c0_i32_0 = arith.constant 0 : i32
    return %arg0, %c0_i32 : i32, i32
  }
}

</mosaic_0001>

<sc_bundles>
// kernel: kernel.4.cloned.1.call-start
scs
__scs_entry_jumppad:
0x0: {  	(pc) =	sbr.rel $0x88, $3  }
0x1: {  	(tag) =	ssettag $0x0;
	lr =	simm.s32 $0x1  }
0x2: {  	[smem:$0x3F9F] =	sst lr;
	_ =	strace $0xD0000000  }
0x3: {  	_ = 	snop  }
0x4: {  	_ = 	snop  }
0x5: {  	_ = 	snop  }
0x6: {  	_ = 	snop  }
0x7: {  	_ = 	snop  }
__scs_overlays_trampoline_lowered:
0x8: {  	[smem:$0x3FAE] =	sst s0  }
0x9: {  	[smem:$0x3FAF] =	sst s1  }
0xa: {  	[smem:$0x3FB0] =	sst s2  }
0xb: {  	[smem:$0x3FB1] =	sst s3  }
0xc: {  	[smem:$0x3FB2] =	sst s4  }
0xd: {  	[smem:$0x3FB3] =	sst s5  }
0xe: {  	[smem:$0x3FB4] =	sst s6  }
0xf: {  	[smem:$0x3FB5] =	sst s7  }
0x10: {  	[smem:$0x3FB6] =	sst s8  }
0x11: {  	[smem:$0x3FB7] =	sst s9;
	s0 =	simm.s32 @!p0 $0x0  }
0x12: {  	s1 =	sld [smem:$0x3F9D];
	s0 =	simm.s32 @p0 $0x1  }
0x13: {  	[smem:$0x3FB8] =	sst s0;
	s0 =	simm.s32 @!p1 $0x0  }
0x14: {  	s2 =	sld [smem:$0x3F9C];
	s0 =	simm.s32 @p1 $0x1  }
0x15: {  	[smem:$0x3FB9] =	sst s0;
	s0 =	simm.s32 @!p2 $0x0  }
0x16: {  	s3 =	sld [smem:$0x3FDB];
	s0 =	simm.s32 @p2 $0x1  }
0x17: {  	s4 =	simm.s32 $0x1BF5;
	[smem:$0x3FBB] =	sst s0  }
0x18: {  	s0 =	sld [smem:$0x3F9E];
	_ =	swait.ge [sflag:s4], $0x0  }
0x19: {  	s7 =	sld [smem:$0x3F9F]  }
0x1a: {  	s8 =	sadd.s32 $0xFFFFE003, lr  }
0x1b: {  	s9 =	sadd.s32 $0xFFFFFEF7, lr;
	s5 =	simm.s32 $0xFFFFFFFF;
	p2 =	slt.u32 s8, $0xFFFFF086  }
0x1c: {  	p1 =	slt.u32 s9, $0xF7A;
	s5 =	simm.s32 @!p2 $0x0  }
0x1d: {  	s5 =	simm.s32 @p1 $0x1;
	p0 =	seq.s32 s7, s2  }
0x1e: {  	s7 =	smul.u32 @!p0 $0xF7A, s2;
	p2 =	seq.s32 @!p0 s5, $0x0  }
0x1f: {  	s9 =	smul.u32 $0xF7A, s1;
	s8 =	simm.s32 @!p0 $0x1BF5;
	p2 =	por !p2, p0  }
0x20: {  	[sflag:s8] =	ssyncset.s32 @!p0 $0xFFFFF086;
	s6 =	sadd.s32 @!p0 s3, s7;
	s7 =	simm.s32 @!p0 $0x108  }
0x21: {  	s3 =	sadd.s32 s3, s9;
	s6 =	sadd.s32 @!p0 $0x88, s6;
	s7 =	simm.s32 @p2 $0x1082  }
0x22: {  	[simem:s7], [sflag:s8] =	dma.local @!p0 [hbm:s6], $0xF7A  }
0x23: {  	s9 =	sor.u32 $0xD0000000, s2;
	s6 =	simm.s32 $0x108;
	_ =	swait.ge @!p0 [sflag:s8], $0x0  }
0x24: {  	s3 =	sadd.s32 $0x88, s3;
	s6 =	simm.s32 @!p1 $0x1082;
	[sflag:s4] =	ssyncset.s32 $0xFFFFF086  }
0x25: {  	[simem:s6], [sflag:s4] =	dma.local [hbm:s3], $0xF7A  }
0x26: {  	[smem:$0x3F9F] =	sst s1;
	(tag) =	ssettag s2;
	_ =	strace s9  }
0x27: {  	s1 =	sld [smem:$0x3FAF]  }
0x28: {  	s2 =	sld [smem:$0x3FB0]  }
0x29: {  	s4 =	sld [smem:$0x3FB2]  }
0x2a: {  	p0 =	seq.s32 s5, $0x0;
	s5 =	sld [smem:$0x3FB3]  }
0x2b: {  	s6 =	sld [smem:$0x3FB4]  }
0x2c: {  	s7 =	sld [smem:$0x3FB5]  }
0x2d: {  	s3 =	simm.s32 $0x108;
	s8 =	sld [smem:$0x3FB6]  }
0x2e: {  	s3 =	simm.s32 @!p0 $0x1082;
	s9 =	sld [smem:$0x3FB7]  }
0x2f: {  	lr =	sadd.s32 s0, s3;
	s0 =	sld [smem:$0x3FAE]  }
0x30: {  	s3 =	sld [smem:$0x3FB1]  }
0x31: {  	[smem:$0x3FBA] =	sst s10  }
0x32: {  	s10 =	sld [smem:$0x3FB8];
	_ =	sdelay $0x3  }
0x33: {  	p0 =	seq.s32 s10, $0x1;
	s10 =	sld [smem:$0x3FBA];
	_ =	sdelay $0x3  }
0x34: {  	[smem:$0x3FBA] =	sst s10  }
0x35: {  	s10 =	sld [smem:$0x3FB9];
	_ =	sdelay $0x3  }
0x36: {  	p1 =	seq.s32 s10, $0x1;
	s10 =	sld [smem:$0x3FBA];
	_ =	sdelay $0x3  }
0x37: {  	[smem:$0x3FBA] =	sst s10  }
0x38: {  	s10 =	sld [smem:$0x3FBB]  }
0x39: {  	_ = 	snop;
	(pc) =	sbr.ind lr, $3  }
0x3a: {  	_ = 	snop  }
0x3b: {  	_ = 	snop  }
0x3c: {  	p2 =	seq.s32 s10, $0x1;
	s10 =	sld [smem:$0x3FBA]  }
0x3d: {  	_ =	shalt  }
0x3e: {  	_ =	shalt  }
0x3f: {  	_ =	shalt  }
0x40: {  	_ =	shalt  }
0x41: {  	_ =	shalt  }
0x42: {  	_ =	shalt  }
0x43: {  	_ =	shalt  }
0x44: {  	_ =	shalt  }
0x45: {  	_ =	shalt  }
0x46: {  	_ =	shalt  }
0x47: {  	_ =	shalt  }
0x48: {  	_ =	shalt  }
0x49: {  	_ =	shalt  }
0x4a: {  	_ =	shalt  }
0x4b: {  	_ =	shalt  }
0x4c: {  	_ =	shalt  }
0x4d: {  	_ =	shalt  }
0x4e: {  	_ =	shalt  }
0x4f: {  	_ =	shalt  }
0x50: {  	_ =	shalt  }
0x51: {  	_ =	shalt  }
0x52: {  	_ =	shalt  }
0x53: {  	_ =	shalt  }
0x54: {  	_ =	shalt  }
0x55: {  	_ =	shalt  }
0x56: {  	_ =	shalt  }
0x57: {  	_ =	shalt  }
0x58: {  	_ =	shalt  }
0x59: {  	_ =	shalt  }
0x5a: {  	_ =	shalt  }
0x5b: {  	_ =	shalt  }
0x5c: {  	_ =	shalt  }
0x5d: {  	_ =	shalt  }
0x5e: {  	_ =	shalt  }
0x5f: {  	_ =	shalt  }
0x60: {  	_ =	shalt  }
0x61: {  	_ =	shalt  }
0x62: {  	_ =	shalt  }
0x63: {  	_ =	shalt  }
0x64: {  	_ =	shalt  }
0x65: {  	_ =	shalt  }
0x66: {  	_ =	shalt  }
0x67: {  	_ =	shalt  }
0x68: {  	_ =	shalt  }
0x69: {  	_ =	shalt  }
0x6a: {  	_ =	shalt  }
0x6b: {  	_ =	shalt  }
0x6c: {  	_ =	shalt  }
0x6d: {  	_ =	shalt  }
0x6e: {  	_ =	shalt  }
0x6f: {  	_ =	shalt  }
0x70: {  	_ =	shalt  }
0x71: {  	_ =	shalt  }
0x72: {  	_ =	shalt  }
0x73: {  	_ =	shalt  }
0x74: {  	_ =	shalt  }
0x75: {  	_ =	shalt  }
0x76: {  	_ =	shalt  }
0x77: {  	_ =	shalt  }
0x78: {  	_ =	shalt  }
0x79: {  	_ =	shalt  }
0x7a: {  	_ =	shalt  }
0x7b: {  	_ =	shalt  }
0x7c: {  	_ =	shalt  }
0x7d: {  	_ =	shalt  }
0x7e: {  	_ =	shalt  }
0x7f: {  	_ =	shalt  }
0x80: {  	_ =	shalt  }
0x81: {  	_ =	shalt  }
0x82: {  	_ =	shalt  }
0x83: {  	_ =	shalt  }
0x84: {  	_ =	shalt  }
0x85: {  	_ =	shalt  }
0x86: {  	_ =	shalt  }
0x87: {  	_ =	shalt  }
.Lfunc_end0:
.L_simem_size_0:
called_computation_lowered:
.L_overlay_start_0:
0x88: {  	s2 =	sld [smem:$0x3FD9]  }
0x89: {  	s3 =	sld [smem:$0x3FFE];
	_ =	sdelay $0x1  }
0x8a: {  	s1 =	srdreg.scid  }
0x8b: {  	s0 =	sand.u32 $0x1, s1  }
0x8c: {  	s14 =	sshll.u32 s0, $0xA;
	s2 =	sadd.s32 s3, s2  }
0x8d: {  	s2 =	sadd.s32 s2, s14  }
0x8e: {  	[smem:$0x3FC6] =	sst s2  }
0x8f: {  	_ = 	snop  }
0x90: {  	s2 =	sld [smem:$0x3FD0];
	_ =	sdelay $0x2  }
0x91: {  	s15 =	simm.s32 $0xA;
	s4 =	simm.s32 $0x10  }
0x92: {  	[smem:s4], [sflag:s15] =	dma.local [hbm:s2], $0x1  }
0x93: {  	_ =	swait.eq [sflag:s15], $0x1  }
0x94: {  	[sflag:s15] =	ssyncset.done $0x0  }
0x95: {  	[sflag:s15] =	ssyncadd.s32 $0xFFFFFFFF  }
0x96: {  	s16 =	sld [smem:$0x10];
	(tm) =	ssettm $0x1  }
0x97: {  	s17 =	sld [smem:$0x3FFB];
	_ =	sdelay $0x3  }
0x98: {  	_ =	strace s17  }
0x99: {  	s3 =	sld [smem:$0x3FFC];
	_ =	sdelay $0x3  }
0x9a: {  	_ =	strace s3  }
0x9b: {  	s3 =	sld [smem:$0x3FFD];
	_ =	sdelay $0x3  }
0x9c: {  	_ =	strace s3  }
0x9d: {  	_ =	strace $0x8FFFFFFF  }
0x9e: {  	s18 =	sld [smem:$0x3FDB];
	_ =	sdelay $0x1  }
0x9f: {  	s19 =	simm.s32 $_scs_section_size  }
0xa0: {  	s5 =	simm.s32 $_size__tile_overlayer_lowered;
	s6 =	simm.s32 $_tile_overlayer_lowered  }
0xa1: {  	s22 =	simm.s32 $0x1BFF;
	s21 =	sshll.u32 s6, $0x1;
	s3 =	sadd.s32 s19, s18  }
0xa2: {  	s7 =	simm.s32 $0x0;
	s20 =	sshll.u32 s5, $0x1;
	s5 =	sadd.s32 s21, s3  }
0xa3: {  	[timem:s7], [sflag:s22] =	dma.local [hbm:s5], s20  }
0xa4: {  	_ =	swait.ge [sflag:s22], s20  }
0xa5: {  	s4 =	ssub.s32 $0x0, s20;
	[sflag:s22] =	ssyncset.done $0x0  }
0xa6: {  	[sflag:s22] =	ssyncadd.s32 s4;
	_ =	sdelay $0x1  }
0xa7: {  	s23 =	simm.s32 $0x1B8B  }
0xa8: {  	_ =	swait.ge [sflag:s23], $0x1  }
0xa9: {  	[sflag:s23] =	ssyncset.done $0x0  }
0xaa: {  	s25 =	simm.s32 $0x1B8E;
	s24 =	sld [smem:$0x3FFE];
	[sflag:s23] =	ssyncadd.s32 $0xFFFFFFFF  }
0xab: {  	s26 =	simm.s32 $execute0_lowered;
	[smem:$0x3FD2] =	sst s25  }
0xac: {  	s5 =	sshll.u32 s26, $0x1;
	_ =	strace $0x80000046;
	[dreg:$0x1] =	wrdreg $0xFFFFFFFF  }
0xad: {  	s28 =	simm.s32 $_size_execute0_lowered;
	s3 =	sadd.s32 s3, s5;
	[dreg:$0x0] =	wrdreg $0x0  }
0xae: {  	s5 =	sshll.u32 s28, $0x1;
	[dreg:$0x2] =	wrdreg s3  }
0xaf: {  	[dreg:$0x3] =	wrdreg s5  }
0xb0: {  	[dreg:$0x4] =	wrdreg $0xC0  }
0xb1: {  	_ =	task [dreg:s7], $0x5FFFF  }
0xb2: {  	[dreg:$0x1] =	wrdreg $0xFFFFFFFF  }
0xb3: {  	[dreg:$0x0] =	wrdreg $0x60  }
0xb4: {  	[dreg:$0x2] =	wrdreg s24  }
0xb5: {  	[dreg:$0x3] =	wrdreg s16  }
0xb6: {  	[dreg:$0x4] =	wrdreg $0x9  }
0xb7: {  	_ =	task.clear_ibuf [dreg:s7], $0x5FFFF;
	_ =	strace $0x90000046  }
0xb8: {  	s29 =	simm.s32 $0x9;
	_ =	strace $0x8000004F  }
0xb9: {  	_ =	swait.ge [sflag:s29], $0x1  }
0xba: {  	[sflag:s29] =	ssyncadd.s32 $0xFFFFFFFF  }
0xbb: {  	_ =	strace $0x9000004F  }
0xbc: {  	_ =	sfence  }
0xbd: {  	s30 =	sld [smem:$0x0];
	_ =	sdelay $0x2  }
0xbe: {  	s31 =	sshll.u32 s1, $0xD;
	s1 =	sshrl.u32 s1, $0x2  }
0xbf: {  	s3 =	sand.u32 $0x4000, s31;
	s1 =	sadd.s32 s1, s30  }
0xc0: {  	s0 =	sor.u32 s3, s0;
	s1 =	sshll.u32 s1, $0x11  }
0xc1: {  	s0 =	sor.u32 s1, s0  }
0xc2: {  	s0 =	sadd.s32 $0x8F2B, s0  }
0xc3: {  	[sflag:s0] =	ssyncadd.remote.s32 $0x1  }
0xc4: {  	_ =	sfence.sel $0xFFFF  }
0xc5: {  	[dreg:$0x0] =	wrdreg $0xFFFFFFFF;
	(pc) =	sbr.abs _section_cstart, $3  }
0xc6: {  	[dreg:$0x1] =	wrdreg $0xFFFFFFFF  }
0xc7: {  	_ =	task.clear_ibuf [dreg:s7], $0x2FFFF;
	_ =	strace $0x9FFFFFFF  }
0xc8: {  	(tm) =	ssettm $0x7FFFFFFF  }
0xc9: {  	_ =	shalt  }
tec
execute0_lowered:
.L_overlay_start_1:
0x0: {  	(tag) =	ssettag $0x1  }
0x1: {  	s1 =	rddreg [dreg:$0x0]  }
0x2: {  	s2 =	rddreg [dreg:$0x1]  }
0x3: {  	s0 =	rddreg [dreg:$0x2]  }
0x4: {  	s3 =	simm.s32 $0x0;
	s4 =	srdreg.scid;
	s9 =	simm.s32 $0x80  }
0x5: {  	s8 =	simm.s32 $0x1;
	s10 =	simm.s32 $0x4;
	s11 =	simm.s32 $0x0  }
0x6: {  	[smem:$0x7FF] =	sst s3;
	s4 =	sand.u32 $0x1, s4;
	s6 =	sadd.s32 $0x20000, s1  }
0x7: {  	_ =	strace $0x80000047;
	s5 =	ssub.s32 $0x2, s4;
	[dreg:$0x4] =	wrdreg s6  }
0x8: {  	s4 =	stileid.u32;
	[dreg:$0x3] =	wrdreg s9;
	s7 =	sshrl.u32 s5, $0x1  }
0x9: {  	s9 =	simm.s32 $0x5;
	s31 =	sshll.u32 s4, $0x7;
	s7 =	ssub.s32 s5, s7  }
0xa: {  	s5 =	sshll.u32 s4, $0x3;
	s6 =	sadd.s32 s2, s31;
	s7 =	smax.u32 s7, $0x1  }
.LBB2_1:
0xb: {  	_ =	strace $0x80000048;
	s12 =	simm.s32 $0x1;
	p0 =	por $0x0, $0x0  }
0xc: {  	[tilespmem:s3], [sflag:$0x1] =	stream.linear.gather [hbm4b:s6+s3], $0x80, $0x200038;
	[tilespmem:$0x8100] =	vst v63  }
0xd: {  	s12 =	simm.s32 @p0 $0x0  }
0xe: {  	p5 =	por $0x1, $0x1;
	p1 =	sne.s32 s12, $0x0  }
0xf: {  	p0 =	por !p5, !p1  }
0x10: {  	s22 =	sand.u32 $0x1, s3;
	p3 =	por !p0, !p0  }
0x11: {  	s31 =	simm.s32 $0x0;
	s19 =	sadd.s32 $0x0, s5;
	s13 =	sadd.s32 @p3 s5, s12  }
0x12: {  	_ =	strace $0x90000048;
	s14 =	sand.u32 @p3 $0x1, s8;
	s13 =	sshll.u32 @p3 s13, $0x4  }
0x13: {  	s15 =	simm.s32 @p3 $0x0;
	_ =	strace @p3 $0x80000049;
	s13 =	sand.u32 @p3 $0x1FFFFFF0, s13  }
0x14: {  	s16 =	sshll.u32 @p3 s14, $0x7;
	s14 =	sadd.s32 @p3 $0x1, s14;
	s13 =	sadd.s32 @p3 s2, s13  }
0x15: {  	[tilespmem:s16], [sflag:s14] =	stream.linear.gather @p3 [hbm4b:s13+s15], $0x80, $0x200038;
	[tilespmem:$0x8100] =	vst v63  }
0x16: {  	p4 =	por $0x0, $0x0;
	p6 =	por $0x0, $0x0;
	_ =	strace @p3 $0x90000049  }
0x17: {  	s30 =	sadd.s32 $0x1, s22;
	s17 =	sshll.u32 s22, $0xE;
	_ =	strace $0x8000004A  }
0x18: {  	s25 =	simm.s32 $0x1;
	s23 =	sor.u32 $0x100, s17;
	_ =	swait.ge [sflag:s30], $0x80  }
0x19: {  	s17 =	simm.s32 $0x1;
	p0 =	por $0x1, $0x1;
	[sflag:s30] =	ssyncset.done $0x0  }
0x1a: {  	s17 =	simm.s32 @!p4 $0x0;
	p2 =	por p0, p0;
	[sflag:s30] =	ssyncadd.s32 $0xFFFFFF80  }
0x1b: {  	s13 =	simm.s32 $0x7;
	s15 =	simm.s32 $0x6;
	_ =	strace $0x9000004A  }
0x1c: {  	s16 =	sand.u32 @!p0 $0x1, s3;
	p0 =	por $0x0, $0x0;
	_ =	strace $0x8000004B  }
0x1d: {  	s14 =	sand.u32 $0x80, s31;
	s20 =	sadd.s32 @!p2 $0x3, s16;
	s18 =	rddreg [dreg:$0x3]  }
0x1e: {  	[tilespmem:s23], [sflag:$0x5] =	stream.indirect.gather [hbm4b:s1+s18], $0x80, s14, s18, $0x2000b8;
	[tilespmem:$0x8100] =	vst v63  }
0x1f: {  	s16 =	simm.s32 $0x0;
	s18 =	sadd.s32 $0x1, s12;
	s14 =	simm.s32 $0x1  }
0x20: {  	_ =	swait.ge [sflag:s9], $0x4000;
	p5 =	seq.s32 s18, $0x8;
	s14 =	simm.s32 @!p3 $0x0  }
0x21: {  	[sflag:s9] =	ssyncset.done $0x0;
	s18 =	simm.s32 @p5 $0x0;
	p5 =	por p6, p1  }
0x22: {  	p6 =	por $0x1, $0x1;
	s21 =	sadd.s32 $0x1, s14;
	s14 =	simm.s32 $0x0  }
0x23: {  	[sflag:s9] =	ssyncadd.s32 $0xFFFFC000;
	p1 =	sne.s32 s12, s18;
	s24 =	sshll.u32 @p5 s19, $0xB  }
0x24: {  	s25 =	simm.s32 @!p5 $0x0;
	p3 =	por !p6, !p1;
	_ =	strace $0x9000004B  }
0x25: {  	s19 =	simm.s32 $0x0;
	p3 =	por !p3, !p3;
	_ =	strace @p5 $0x8000004C  }
0x26: {  	s26 =	sand.u32 @p3 $0x1, s21;
	s29 =	sadd.s32 @p3 s5, s18;
	s28 =	rddreg [dreg:$0x4]  }
.LBB2_2:
0x27: {  	s29 =	sshll.u32 @p3 s29, $0x4;
	s30 =	sand.u32 @p5 $0x1FFFF800, s24;
	s16 =	sadd.s32 s25, s16  }
0x28: {  	s24 =	smov.u32 s13;
	s13 =	smov.u32 s15;
	s22 =	sadd.s32 @p5 $0x3, s22  }
0x29: {  	s31 =	simm.s32 @p5 $0x0;
	s19 =	sadd.s32 s25, s19;
	s28 =	sadd.s32 @p5 s28, s30  }
0x2a: {  	[hbm4b:s28+s31] =	stream.linear.scatter @p5 [tilespmem:s23], [sflag:s22], $0x4000, $0x200038;
	[tilespmem:$0x8100] =	vst v63  }
0x2b: {  	s15 =	sadd.s32 $0xFFFFFFFF, s15;
	s14 =	sadd.s32 s17, s14;
	_ =	strace @p5 $0x9000004C  }
0x2c: {  	s29 =	sand.u32 @p3 $0x1FFFFFF0, s29;
	s25 =	sshll.u32 s19, $0x7;
	_ =	strace @!p2 $0x8000004D  }
0x2d: {  	p4 =	sne.s32 s15, $0x0;
	s17 =	sand.u32 @!p0 $0x1, s14;
	_ =	swait.ge @!p2 [sflag:s20], $0x4000  }
0x2e: {  	s29 =	sadd.s32 @p3 s2, s29;
	s31 =	sand.u32 $0x1, s19;
	[sflag:s20] =	ssyncset.done @!p2 $0x0  }
0x2f: {  	s23 =	simm.s32 @p3 $0x0;
	s22 =	sand.u32 $0x1, s16;
	[sflag:s20] =	ssyncadd.s32 @!p2 $0xFFFFC000  }
0x30: {  	s25 =	sand.u32 $0x80, s25;
	s30 =	sadd.s32 $0x1, s31;
	_ =	strace @!p2 $0x9000004D  }
0x31: {  	s20 =	sshll.u32 @p3 s26, $0x7;
	s26 =	sadd.s32 @p3 $0x1, s26;
	_ =	strace @p3 $0x80000049  }
0x32: {  	[tilespmem:s20], [sflag:s26] =	stream.linear.gather @p3 [hbm4b:s29+s23], $0x80, $0x200038;
	[tilespmem:$0x8100] =	vst v63  }
0x33: {  	s31 =	sshll.u32 s22, $0xE;
	p5 =	sne.s32 s24, $0x8;
	_ =	strace @p3 $0x90000049  }
0x34: {  	p2 =	por p0, p0;
	p0 =	seq.s32 s13, $0x8;
	_ =	strace $0x8000004A  }
0x35: {  	s26 =	sadd.s32 s5, s12;
	s12 =	smov.u32 s18;
	_ =	swait.ge [sflag:s30], $0x80  }
0x36: {  	s20 =	sadd.s32 @!p2 $0x3, s17;
	s23 =	sor.u32 $0x100, s31;
	[sflag:s30] =	ssyncset.done $0x0  }
0x37: {  	s17 =	simm.s32 $0x1;
	s18 =	sadd.s32 $0x1, s18;
	[sflag:s30] =	ssyncadd.s32 $0xFFFFFF80  }
0x38: {  	s17 =	simm.s32 @!p5 $0x0;
	p6 =	seq.s32 s18, $0x8;
	_ =	strace $0x9000004A  }
0x39: {  	p5 =	seq.s32 s24, $0x1;
	s18 =	simm.s32 @p6 $0x0;
	_ =	strace $0x8000004B  }
0x3a: {  	p5 =	por p5, p1;
	p6 =	sne.s32 s13, $0x1;
	s28 =	rddreg [dreg:$0x3]  }
0x3b: {  	[tilespmem:s23], [sflag:$0x5] =	stream.indirect.gather [hbm4b:s1+s28], $0x80, s25, s28, $0x2000b8;
	[tilespmem:$0x8100] =	vst v63  }
0x3c: {  	p1 =	sne.s32 s12, s18;
	s24 =	sshll.u32 @p5 s26, $0xB;
	_ =	swait.ge [sflag:s9], $0x4000  }
.Ltmp0:
0x3d: {  	s28 =	simm.s32 $0x1;
	[sflag:s9] =	ssyncset.done $0x0;
	(pc) =	sbr.rel @p4 .LBB2_2-.Ltmp0, $4  }
0x3e: {  	s25 =	simm.s32 $0x1;
	s28 =	simm.s32 @!p3 $0x0;
	[sflag:s9] =	ssyncadd.s32 $0xFFFFC000  }
0x3f: {  	p3 =	por !p6, !p1;
	s25 =	simm.s32 @!p5 $0x0;
	_ =	strace $0x9000004B  }
0x40: {  	p3 =	por !p3, !p3;
	s21 =	sadd.s32 s28, s21;
	_ =	strace @p5 $0x8000004C  }
0x41: {  	s26 =	sand.u32 @p3 $0x1, s21;
	s29 =	sadd.s32 @p3 s5, s18;
	s28 =	rddreg [dreg:$0x4]  }
0x42: {  	s15 =	sand.u32 @p5 $0x1FFFF800, s24  }
0x43: {  	s18 =	sadd.s32 @p5 $0x3, s22;
	s21 =	simm.s32 @p5 $0x0;
	s15 =	sadd.s32 @p5 s28, s15  }
0x44: {  	[hbm4b:s15+s21] =	stream.linear.scatter @p5 [tilespmem:s23], [sflag:s18], $0x4000, $0x200038;
	[tilespmem:$0x8100] =	vst v63  }
0x45: {  	_ =	strace @p5 $0x9000004C  }
0x46: {  	_ =	strace @!p2 $0x8000004D  }
0x47: {  	_ =	swait.ge @!p2 [sflag:s20], $0x4000  }
0x48: {  	s24 =	sadd.s32 s25, s19;
	[sflag:s20] =	ssyncset.done @!p2 $0x0  }
0x49: {  	s19 =	simm.s32 @p3 $0x0;
	s15 =	sshll.u32 @p3 s29, $0x4;
	[sflag:s20] =	ssyncadd.s32 @!p2 $0xFFFFC000  }
0x4a: {  	s21 =	sadd.s32 @p3 $0x1, s26;
	s15 =	sand.u32 @p3 $0x1FFFFFF0, s15;
	_ =	strace @!p2 $0x9000004D  }
0x4b: {  	s15 =	sadd.s32 @p3 s2, s15;
	s20 =	sshll.u32 @p3 s26, $0x7;
	_ =	strace @p3 $0x80000049  }
0x4c: {  	[tilespmem:s20], [sflag:s21] =	stream.linear.gather @p3 [hbm4b:s15+s19], $0x80, $0x200038;
	[tilespmem:$0x8100] =	vst v63  }
0x4d: {  	s28 =	sand.u32 $0x1, s24;
	_ =	strace @p3 $0x90000049  }
0x4e: {  	s15 =	sadd.s32 $0x1, s28;
	_ =	strace $0x8000004A  }
0x4f: {  	_ =	swait.ge [sflag:s15], $0x80  }
0x50: {  	[sflag:s15] =	ssyncset.done $0x0  }
0x51: {  	s29 =	sadd.s32 s25, s16;
	[sflag:s15] =	ssyncadd.s32 $0xFFFFFF80  }
0x52: {  	s15 =	sand.u32 $0x1, s29;
	_ =	strace $0x9000004A  }
0x53: {  	s18 =	sshll.u32 s24, $0x7;
	s31 =	sshll.u32 s15, $0xE;
	_ =	strace $0x8000004B  }
0x54: {  	s18 =	sand.u32 $0x80, s18;
	s19 =	sor.u32 $0x100, s31;
	s30 =	rddreg [dreg:$0x3]  }
0x55: {  	[tilespmem:s19], [sflag:$0x5] =	stream.indirect.gather [hbm4b:s1+s30], $0x80, s18, s30, $0x2000b8;
	[tilespmem:$0x8100] =	vst v63  }
0x56: {  	_ =	swait.ge [sflag:s9], $0x4000  }
0x57: {  	[sflag:s9] =	ssyncset.done $0x0  }
0x58: {  	p6 =	seq.s32 s13, $0x1;
	[sflag:s9] =	ssyncadd.s32 $0xFFFFC000  }
0x59: {  	s12 =	sadd.s32 s5, s12;
	p1 =	por p6, p1;
	_ =	strace $0x9000004B  }
0x5a: {  	s12 =	sshll.u32 @p1 s12, $0xB;
	_ =	strace @p1 $0x8000004C  }
0x5b: {  	s14 =	sadd.s32 s17, s14;
	s12 =	sand.u32 @p1 $0x1FFFF800, s12;
	s13 =	rddreg [dreg:$0x4]  }
0x5c: {  	s16 =	simm.s32 @p1 $0x0;
	s15 =	sadd.s32 @p1 $0x3, s15;
	s12 =	sadd.s32 @p1 s13, s12  }
0x5d: {  	[hbm4b:s12+s16] =	stream.linear.scatter @p1 [tilespmem:s19], [sflag:s15], $0x4000, $0x200038;
	[tilespmem:$0x8100] =	vst v63  }
0x5e: {  	s12 =	sand.u32 @!p0 $0x1, s14;
	p0 =	por p0, p0;
	_ =	strace @p1 $0x9000004C  }
0x5f: {  	s12 =	sadd.s32 @!p0 $0x3, s12;
	_ =	strace @!p0 $0x8000004D  }
0x60: {  	_ =	swait.ge @!p0 [sflag:s12], $0x4000  }
0x61: {  	[sflag:s12] =	ssyncset.done @!p0 $0x0  }
0x62: {  	s11 =	sadd.s32 $0x1, s11;
	[sflag:s12] =	ssyncadd.s32 @!p0 $0xFFFFC000  }
0x63: {  	_ =	strace @!p0 $0x9000004D;
	p0 =	sne.s32 s11, s7  }
.Ltmp1:
0x64: {  	_ =	strace $0x8000004E;
	(pc) =	sbr.rel @p0 .LBB2_1-.Ltmp1, $4  }
0x65: {  	_ =	swait.ge [sflag:s10], $0x4000  }
0x66: {  	[sflag:s10] =	ssyncset.done $0x0  }
0x67: {  	[sflag:s10] =	ssyncadd.s32 $0xFFFFC000  }
0x68: {  	_ =	strace $0x9000004E  }
0x69: {  	_ =	sfence.sel $0x180000  }
0x6a: {  	[bflag:$0x0] =	sbarrier.arrive $0xFFFF  }
0x6b: {  	p0 =	sne.s32 s4, $0x0;
	_ =	strace $0x90000047  }
0x6c: {  	s0 =	sadd.s32 @!p0 $0x100000, s0;
	[bflag:$0x2] =	sbarrier.arrive $0xFFFF  }
0x6d: {  	[sflag:s0] =	ssyncadd.tile.s32 @!p0 $0x1;
	_ =	shalt  }
.Lfunc_end2:
_tile_overlayer_lowered:
.L_overlay_start_2:
0x6e: {  	(tag) =	ssettag $0x2  }
0x6f: {  	s0 =	rddreg [dreg:$0x0];
	s2 =	stileid.u32  }
0x70: {  	s1 =	rddreg [dreg:$0x1];
	p0 =	sne.s32 s2, $0x0  }
0x71: {  	s3 =	rddreg [dreg:$0x2];
	[bflag:$0x3] =	sbarrier.arrive $0xFFFF;
	s2 =	simm.s32 @!p0 $0x1C01  }
0x72: {  	[timem:s3], [sflag:s2] =	dma.local @!p0 [hbm:s0], s1  }
0x73: {  	s0 =	simm.s32 @!p0 $0x1  }
0x74: {  	_ =	swait.ge @!p0 [sflag:s0], s1  }
0x75: {  	s1 =	ssub.s32 @!p0 $0x0, s1;
	[sflag:s0] =	ssyncset.done @!p0 $0x0  }
0x76: {  	[sflag:s0] =	ssyncadd.s32 @!p0 s1  }
0x77: {  	[bflag:$0x3] =	sbarrier.arrive $0xFFFF  }
0x78: {  	_ =	shalt  }

</sc_bundles>
